<compile_context>
chip_gen: v7x
topology: tpu7x:2x2x1
jax: 0.10.2.dev20260603
libtpu: 0.0.44.dev20260713+nightly
codegen_flags: <defaults>
</compile_context>

<pallas_src>
import functools

import jax
import jax.numpy as jnp
from jax import lax
from jax.experimental import pallas as pl
from jax.experimental.pallas import tpu as pltpu
from jax.experimental.pallas import tpu_sc as plsc

N = 10000
E = 320000
D_IN = 128
HID = 128
CLS = 64

NC = 2
NS = 16
NW = NC * NS

EPT = E // NW
K = 40
NCH = EPT // K
NB = 5
GA = 4
KD = 80
NCHD = EPT // KD
RPT = 624
REM = N - RPT * NS

_MESH = dict(core_axis_name="c", subcore_axis_name="s", num_cores=NC,
             num_subcores=NS)
_SC_PARAMS = pltpu.CompilerParams(use_tc_tiling_on_sc=False)



def _acc_init(zero_hbm, acc_sh, sid):
    r0 = sid * RPT
    pltpu.sync_copy(zero_hbm.at[pl.ds(r0, RPT)], acc_sh.at[pl.ds(r0, RPT)])

    @pl.when(sid == NS - 1)
    def _():
        pltpu.sync_copy(
            zero_hbm.at[pl.ds(RPT * NS, REM)], acc_sh.at[pl.ds(RPT * NS, REM)]
        )


def _acc_readout(acc_sh, out_hbm, cid, sid):
    r0 = sid * RPT
    pltpu.sync_copy(acc_sh.at[pl.ds(r0, RPT)], out_hbm.at[cid, pl.ds(r0, RPT)])

    @pl.when(sid == NS - 1)
    def _():
        pltpu.sync_copy(
            acc_sh.at[pl.ds(RPT * NS, REM)], out_hbm.at[cid, pl.ds(RPT * NS, REM)]
        )


@functools.partial(jax.jit, static_argnames=("d",))
def _propagate(y, srcb, dstb, zero, d):
    k = srcb.shape[2]
    nch = srcb.shape[1]

    @functools.partial(
        pl.kernel,
        out_type=jax.ShapeDtypeStruct((NC, N, d), jnp.float32),
        mesh=plsc.VectorSubcoreMesh(**_MESH),
        scratch_types=[
            pltpu.VMEM((nch, k), jnp.int32),
            pltpu.VMEM((nch, k), jnp.int32),
            pltpu.VMEM((NB, k, d), jnp.float32),
            pltpu.VMEM_SHARED((N, d), jnp.float32),
        ] + [pltpu.SemaphoreType.DMA] * NB,
        compiler_params=_SC_PARAMS,
    )
    def prop(y_hbm, srcb_hbm, dstb_hbm, zero_hbm, out_hbm,
             srcb_v, dstb_v, rows_v, acc_sh, *gsems):
        cid = lax.axis_index("c")
        sid = lax.axis_index("s")
        wid = cid * NS + sid
        pltpu.sync_copy(srcb_hbm.at[wid], srcb_v)
        pltpu.sync_copy(dstb_hbm.at[wid], dstb_v)
        for b in range(GA):
            pltpu.async_copy(y_hbm.at[srcb_v.at[b]], rows_v.at[b], gsems[b])
        _acc_init(zero_hbm, acc_sh, sid)
        plsc.subcore_barrier()

        @pl.loop(0, nch // NB)
        def _(g):
            i0 = g * NB
            for b in range(NB):
                i = i0 + b
                bg = (b + GA) % NB

                @pl.when(i + GA < nch)
                def _():
                    pltpu.async_copy(
                        y_hbm.at[srcb_v.at[i + GA]], rows_v.at[bg], gsems[bg]
                    )

                pltpu.make_async_copy(
                    y_hbm.at[srcb_v.at[0]], rows_v.at[b], gsems[b]
                ).wait()
                pltpu.sync_copy(rows_v.at[b], acc_sh.at[dstb_v.at[i]], add=True)

        plsc.subcore_barrier()
        _acc_readout(acc_sh, out_hbm, cid, sid)

    return prop(y, srcb, dstb, zero)


@jax.jit
def _degree(dstb, zero, ones):

    @functools.partial(
        pl.kernel,
        out_type=jax.ShapeDtypeStruct((NC, N, 16), jnp.float32),
        mesh=plsc.VectorSubcoreMesh(**_MESH),
        scratch_types=[
            pltpu.VMEM((NCHD, KD), jnp.int32),
            pltpu.VMEM((KD, 16), jnp.float32),
            pltpu.VMEM_SHARED((N, 16), jnp.float32),
        ] + [pltpu.SemaphoreType.DMA] * NB,
        compiler_params=_SC_PARAMS,
    )
    def degk(dstb_hbm, zero_hbm, ones_hbm, out_hbm, dstb_v, ones_v, acc_sh,
             *ssems):
        cid = lax.axis_index("c")
        sid = lax.axis_index("s")
        wid = cid * NS + sid
        _acc_init(zero_hbm, acc_sh, sid)
        pltpu.sync_copy(ones_hbm, ones_v)
        pltpu.sync_copy(dstb_hbm.at[wid], dstb_v)
        plsc.subcore_barrier()

        @pl.loop(0, NCHD // NB)
        def _(g):
            i0 = g * NB
            for b in range(NB):
                i = i0 + b

                @pl.when(i >= NB)
                def _():
                    pltpu.make_async_copy(
                        ones_v, acc_sh.at[dstb_v.at[0]], ssems[b]
                    ).wait()

                pltpu.async_copy(
                    ones_v, acc_sh.at[dstb_v.at[i]], ssems[b], add=True
                )

        for b in range(NB):
            pltpu.make_async_copy(ones_v, acc_sh.at[dstb_v.at[0]], ssems[b]).wait()
        plsc.subcore_barrier()
        _acc_readout(acc_sh, out_hbm, cid, sid)

    return degk(dstb, zero, ones)



R = 1000


def _mm_first_body(x_ref, w_ref, dg_ref, y_ref, dinv_ref):
    dinv = lax.rsqrt(dg_ref[0, :, 0:1] + dg_ref[1, :, 0:1] + 1.0)
    xw = jnp.dot(x_ref[...], w_ref[...], preferred_element_type=jnp.float32)
    y_ref[...] = xw * dinv
    dinv_ref[...] = dinv


def _mm_first(x, W, degp):
    grid = (N // R,)
    return pl.pallas_call(
        _mm_first_body,
        grid=grid,
        in_specs=[
            pl.BlockSpec((R, x.shape[1]), lambda i: (i, 0)),
            pl.BlockSpec(W.shape, lambda i: (0, 0)),
            pl.BlockSpec((2, R, 16), lambda i: (0, i, 0)),
        ],
        out_specs=[
            pl.BlockSpec((R, W.shape[1]), lambda i: (i, 0)),
            pl.BlockSpec((R, 1), lambda i: (i, 0)),
        ],
        out_shape=[
            jax.ShapeDtypeStruct((N, W.shape[1]), jnp.float32),
            jax.ShapeDtypeStruct((N, 1), jnp.float32),
        ],
    )(x, W, degp)


def _mm_mid_body(a_ref, y_ref, dinv_ref, w_ref, b_ref, o_ref):
    dinv = dinv_ref[...]
    t = (a_ref[0] + a_ref[1] + y_ref[...]) * dinv + b_ref[...]
    h = jnp.maximum(t, 0.0)
    o_ref[...] = jnp.dot(h, w_ref[...], preferred_element_type=jnp.float32) * dinv


def _mm_mid(a, y, dinv, W, b):
    d = y.shape[1]
    grid = (N // R,)
    return pl.pallas_call(
        _mm_mid_body,
        grid=grid,
        in_specs=[
            pl.BlockSpec((2, R, d), lambda i: (0, i, 0)),
            pl.BlockSpec((R, d), lambda i: (i, 0)),
            pl.BlockSpec((R, 1), lambda i: (i, 0)),
            pl.BlockSpec(W.shape, lambda i: (0, 0)),
            pl.BlockSpec((1, d), lambda i: (0, 0)),
        ],
        out_specs=pl.BlockSpec((R, W.shape[1]), lambda i: (i, 0)),
        out_shape=jax.ShapeDtypeStruct((N, W.shape[1]), jnp.float32),
    )(a, y, dinv, W, b.reshape(1, -1))


def _mm_last_body(a_ref, y_ref, dinv_ref, b_ref, o_ref):
    t = (a_ref[0] + a_ref[1] + y_ref[...]) * dinv_ref[...] + b_ref[...]
    m = jnp.max(t, axis=1, keepdims=True)
    t = t - m
    lse = jnp.log(jnp.sum(jnp.exp(t), axis=1, keepdims=True))
    o_ref[...] = t - lse


def _mm_last(a, y, dinv, b):
    d = y.shape[1]
    grid = (N // R,)
    return pl.pallas_call(
        _mm_last_body,
        grid=grid,
        in_specs=[
            pl.BlockSpec((2, R, d), lambda i: (0, i, 0)),
            pl.BlockSpec((R, d), lambda i: (i, 0)),
            pl.BlockSpec((R, 1), lambda i: (i, 0)),
            pl.BlockSpec((1, d), lambda i: (0, 0)),
        ],
        out_specs=pl.BlockSpec((R, d), lambda i: (i, 0)),
        out_shape=jax.ShapeDtypeStruct((N, d), jnp.float32),
    )(a, y, dinv, b.reshape(1, -1))



def kernel(x, edge_index, W1, b1, W2, b2, W3, b3):
    srcb = edge_index[0].reshape(NW, NCH, K)
    dstb = edge_index[1].reshape(NW, NCH, K)
    srcb8 = edge_index[0].reshape(NW, NCHD, KD)
    dstb8 = edge_index[1].reshape(NW, NCHD, KD)

    zeros16 = jnp.zeros((N, 16), jnp.float32)
    ones16 = jnp.ones((KD, 16), jnp.float32)
    zeros128 = jnp.zeros((N, HID), jnp.float32)
    zeros64 = jnp.zeros((N, CLS), jnp.float32)

    degp = _degree(dstb8, zeros16, ones16)
    y1, dinv = _mm_first(x, W1, degp)
    a1 = _propagate(y1, srcb, dstb, zeros128, HID)
    y2 = _mm_mid(a1, y1, dinv, W2, b1)
    a2 = _propagate(y2, srcb, dstb, zeros128, HID)
    y3 = _mm_mid(a2, y2, dinv, W3, b2)
    a3 = _propagate(y3, srcb8, dstb8, zeros64, CLS)
    return _mm_last(a3, y3, dinv, b3)

# --- scband reference (transcript-rebuilt; emitter-appended) ---
"""Pipeline reference for scband-gana-gcn-27522150433354 (READ-ONLY COPY).

The authoritative reference and input builder live on the scoring server;
editing this copy changes nothing except your own understanding.
"""

import jax, jax.numpy as jnp
import numpy as np

N_NODES = 10000
N_EDGES = 320000
D_FEAT = 128
HIDDEN = 128
N_CLASSES = 64


def gcn_conv(x, W, b, src, dst, num_nodes):
    # linear transform
    xw = x @ W
    # add self-loops
    loop = jnp.arange(num_nodes, dtype=src.dtype)
    src_full = jnp.concatenate([src, loop])
    dst_full = jnp.concatenate([dst, loop])
    # symmetric normalization D^{-1/2} (A+I) D^{-1/2}
    ones = jnp.ones_like(dst_full, dtype=xw.dtype)
    deg = jax.ops.segment_sum(ones, dst_full, num_segments=num_nodes)
    dinv = jnp.where(deg > 0, 1.0 / jnp.sqrt(deg), 0.0)
    norm = dinv[src_full] * dinv[dst_full]
    # gather messages, scale, scatter-add
    msg = xw[src_full] * norm[:, None]
    out = jax.ops.segment_sum(msg, dst_full, num_segments=num_nodes)
    return out + b


def setup_inputs(seed: int = 0) -> dict:
    key = jax.random.key(seed)
    ks = jax.random.split(key, 9)
    x = jax.random.normal(ks[0], (N_NODES, D_FEAT), dtype=jnp.float32)
    edge_index = jax.random.randint(ks[1], (2, N_EDGES), 0, N_NODES, dtype=jnp.int32)
    s1 = 1.0 / np.sqrt(D_FEAT)
    s2 = 1.0 / np.sqrt(HIDDEN)
    W1 = jax.random.normal(ks[2], (D_FEAT, HIDDEN), dtype=jnp.float32) * s1
    b1 = jnp.zeros((HIDDEN,), dtype=jnp.float32)
    W2 = jax.random.normal(ks[3], (HIDDEN, HIDDEN), dtype=jnp.float32) * s2
    b2 = jnp.zeros((HIDDEN,), dtype=jnp.float32)
    W3 = jax.random.normal(ks[4], (HIDDEN, N_CLASSES), dtype=jnp.float32) * s2
    b3 = jnp.zeros((N_CLASSES,), dtype=jnp.float32)
    return {"x": x, "edge_index": edge_index, "W1": W1, "b1": b1, "W2": W2, "b2": b2, "W3": W3, "b3": b3}


def reference(x, edge_index, W1, b1, W2, b2, W3, b3):
    src = edge_index[0]
    dst = edge_index[1]
    # layer 1
    x1 = gcn_conv(x, W1, b1, src, dst, N_NODES)
    h = jax.nn.relu(x1)
    # dropout is identity in eval mode (self.training == False)
    # layer 2
    x1 = gcn_conv(h, W2, b2, src, dst, N_NODES)
    h = jax.nn.relu(x1)
    # layer 3
    x1 = gcn_conv(h, W3, b3, src, dst, N_NODES)
    # note: final output is log_softmax of the last pre-activation x1
    return jax.nn.log_softmax(x1, axis=1)

if __name__ == "__main__":
    import jax
    _d = setup_inputs()
    print(jax.jit(kernel)(*tuple(_d.values())))

</pallas_src>

<mosaic_0001>
#map = affine_map<(d0, d1) -> (0, 0, 0)>
#map1 = affine_map<(d0, d1) -> (0, 0)>
module attributes {stable_mosaic.version = 14 : i64} {
  func.func @degk(%arg0: i32, %arg1: i32, %arg2: memref<32x125x80xi32, #tpu.memory_space<hbm>>, %arg3: memref<10000x16xf32, #tpu.memory_space<hbm>>, %arg4: memref<80x16xf32, #tpu.memory_space<hbm>>, %arg5: memref<2x10000x16xf32, #tpu.memory_space<hbm>>, %arg6: memref<125x80xi32, #tpu.memory_space<vmem>>, %arg7: memref<80x16xf32, #tpu.memory_space<vmem>>, %arg8: memref<10000x16xf32, #tpu.memory_space<vmem_shared>>, %arg9: memref<!tpu.dma_semaphore, #tpu.memory_space<semaphore_mem>>, %arg10: memref<!tpu.dma_semaphore, #tpu.memory_space<semaphore_mem>>, %arg11: memref<!tpu.dma_semaphore, #tpu.memory_space<semaphore_mem>>, %arg12: memref<!tpu.dma_semaphore, #tpu.memory_space<semaphore_mem>>, %arg13: memref<!tpu.dma_semaphore, #tpu.memory_space<semaphore_mem>>) attributes {dimension_semantics = [#tpu.dimension_semantics<core_parallel>, #tpu.dimension_semantics<subcore_parallel>], iteration_bounds = array<i64: 2, 16>, scalar_prefetch = 0 : i64, scratch_operands = 8 : i64, tpu.core_type = #tpu.core_type<sc_vector_subcore>, window_params = [{transform_indices = #map}, {transform_indices = #map1}, {transform_indices = #map1}, {transform_indices = #map}]} {
    %mul3A = arith.constant 16 : i32
    %mul3A_0 = arith.muli %arg0, %mul3A : i32
    %add3A = arith.addi %mul3A_0, %arg1 : i32
    %mul3A_1 = arith.constant 624 : i32
    %mul3A_2 = arith.muli %arg1, %mul3A_1 : i32
    "tpu.region"() ({
      %run_scoped3A = tpu.sem_alloc : memref<!tpu.dma_semaphore, #tpu.memory_space<semaphore_mem>>
      %dma_start3A = arith.constant 0 : i32
      %dma_start3A_51 = tpu.memref_slice %arg8[%mul3A_2, %dma_start3A] : memref<10000x16xf32, #tpu.memory_space<vmem_shared>> -> memref<624x16xf32, #tpu.memory_space<vmem_shared>>
      %dma_start3A_52 = arith.constant 0 : i32
      %dma_start3A_53 = tpu.memref_slice %arg3[%mul3A_2, %dma_start3A_52] : memref<10000x16xf32, #tpu.memory_space<hbm>> -> memref<624x16xf32, #tpu.memory_space<hbm>>
      tpu.enqueue_dma source(%dma_start3A_53 : memref<624x16xf32, #tpu.memory_space<hbm>>) target(%dma_start3A_51 : memref<624x16xf32, #tpu.memory_space<vmem_shared>>) target_semaphore(%run_scoped3A : memref<!tpu.dma_semaphore, #tpu.memory_space<semaphore_mem>>)
      %dma_wait3A_54 = arith.constant 0 : i32
      %dma_wait3A_55 = tpu.memref_slice %arg8[%mul3A_2, %dma_wait3A_54] : memref<10000x16xf32, #tpu.memory_space<vmem_shared>> -> memref<624x16xf32, #tpu.memory_space<vmem_shared>>
      %dma_wait3A_56 = arith.constant 0 : i32
      %dma_wait3A_57 = tpu.memref_slice %arg3[%mul3A_2, %dma_wait3A_56] : memref<10000x16xf32, #tpu.memory_space<hbm>> -> memref<624x16xf32, #tpu.memory_space<hbm>>
      tpu.wait_dma2 semaphore(%run_scoped3A : memref<!tpu.dma_semaphore, #tpu.memory_space<semaphore_mem>>) src(%dma_wait3A_57 : memref<624x16xf32, #tpu.memory_space<hbm>>) dst(%dma_wait3A_55 : memref<624x16xf32, #tpu.memory_space<vmem_shared>>)
      tpu.yield
    }) : () -> ()
    %eq3A = arith.constant 15 : i32
    %eq3A_3 = arith.cmpi eq, %arg1, %eq3A : i32
    %convert_element_type3A = arith.extui %eq3A_3 : i1 to i32
    %cond3A = arith.constant 0 : i32
    %cond3A_4 = arith.cmpi ne, %convert_element_type3A, %cond3A : i32
    scf.if %cond3A_4 {
      "tpu.region"() ({
        %run_scoped3A = tpu.sem_alloc : memref<!tpu.dma_semaphore, #tpu.memory_space<semaphore_mem>>
        %dma_start3A = arith.constant 9984 : i32
        %dma_start3A_51 = arith.constant 0 : i32
        %dma_start3A_52 = tpu.memref_slice %arg8[%dma_start3A, %dma_start3A_51] : memref<10000x16xf32, #tpu.memory_space<vmem_shared>> -> memref<16x16xf32, #tpu.memory_space<vmem_shared>>
        %dma_start3A_53 = arith.constant 9984 : i32
        %dma_start3A_54 = arith.constant 0 : i32
        %dma_start3A_55 = tpu.memref_slice %arg3[%dma_start3A_53, %dma_start3A_54] : memref<10000x16xf32, #tpu.memory_space<hbm>> -> memref<16x16xf32, #tpu.memory_space<hbm>>
        tpu.enqueue_dma source(%dma_start3A_55 : memref<16x16xf32, #tpu.memory_space<hbm>>) target(%dma_start3A_52 : memref<16x16xf32, #tpu.memory_space<vmem_shared>>) target_semaphore(%run_scoped3A : memref<!tpu.dma_semaphore, #tpu.memory_space<semaphore_mem>>)
        %dma_wait3A_56 = arith.constant 9984 : i32
        %dma_wait3A_57 = arith.constant 0 : i32
        %dma_wait3A_58 = tpu.memref_slice %arg8[%dma_wait3A_56, %dma_wait3A_57] : memref<10000x16xf32, #tpu.memory_space<vmem_shared>> -> memref<16x16xf32, #tpu.memory_space<vmem_shared>>
        %dma_wait3A_59 = arith.constant 9984 : i32
        %dma_wait3A_60 = arith.constant 0 : i32
        %dma_wait3A_61 = tpu.memref_slice %arg3[%dma_wait3A_59, %dma_wait3A_60] : memref<10000x16xf32, #tpu.memory_space<hbm>> -> memref<16x16xf32, #tpu.memory_space<hbm>>
        tpu.wait_dma2 semaphore(%run_scoped3A : memref<!tpu.dma_semaphore, #tpu.memory_space<semaphore_mem>>) src(%dma_wait3A_61 : memref<16x16xf32, #tpu.memory_space<hbm>>) dst(%dma_wait3A_58 : memref<16x16xf32, #tpu.memory_space<vmem_shared>>)
        tpu.yield
      }) : () -> ()
    } else {
    }
    "tpu.region"() ({
      %run_scoped3A = tpu.sem_alloc : memref<!tpu.dma_semaphore, #tpu.memory_space<semaphore_mem>>
      tpu.enqueue_dma source(%arg4 : memref<80x16xf32, #tpu.memory_space<hbm>>) target(%arg7 : memref<80x16xf32, #tpu.memory_space<vmem>>) target_semaphore(%run_scoped3A : memref<!tpu.dma_semaphore, #tpu.memory_space<semaphore_mem>>)
      tpu.wait_dma2 semaphore(%run_scoped3A : memref<!tpu.dma_semaphore, #tpu.memory_space<semaphore_mem>>) src(%arg4 : memref<80x16xf32, #tpu.memory_space<hbm>>) dst(%arg7 : memref<80x16xf32, #tpu.memory_space<vmem>>)
      tpu.yield
    }) : () -> ()
    "tpu.region"() ({
      %run_scoped3A = tpu.sem_alloc : memref<!tpu.dma_semaphore, #tpu.memory_space<semaphore_mem>>
      %dma_start3A = arith.constant 0 : i32
      %dma_start3A_51 = arith.constant 0 : i32
      %dma_start3A_52 = tpu.memref_slice %arg2[%add3A, %dma_start3A, %dma_start3A_51] : memref<32x125x80xi32, #tpu.memory_space<hbm>> -> memref<1x125x80xi32, #tpu.memory_space<hbm>>
      %dma_start3A_53 = tpu.memref_squeeze %dma_start3A_52 : memref<1x125x80xi32, #tpu.memory_space<hbm>> -> memref<125x80xi32, #tpu.memory_space<hbm>>
      %dma_start3A_54 = arith.constant 0 : i32
      %dma_start3A_55 = arith.constant 0 : i32
      %dma_start3A_56 = tpu.memref_slice %arg2[%add3A, %dma_start3A_54, %dma_start3A_55] : memref<32x125x80xi32, #tpu.memory_space<hbm>> -> memref<1x125x80xi32, #tpu.memory_space<hbm>>
      %dma_start3A_57 = tpu.memref_squeeze %dma_start3A_56 : memref<1x125x80xi32, #tpu.memory_space<hbm>> -> memref<125x80xi32, #tpu.memory_space<hbm>>
      tpu.enqueue_dma source(%dma_start3A_57 : memref<125x80xi32, #tpu.memory_space<hbm>>) target(%arg6 : memref<125x80xi32, #tpu.memory_space<vmem>>) target_semaphore(%run_scoped3A : memref<!tpu.dma_semaphore, #tpu.memory_space<semaphore_mem>>)
      %dma_wait3A_58 = arith.constant 0 : i32
      %dma_wait3A_59 = arith.constant 0 : i32
      %dma_wait3A_60 = tpu.memref_slice %arg2[%add3A, %dma_wait3A_58, %dma_wait3A_59] : memref<32x125x80xi32, #tpu.memory_space<hbm>> -> memref<1x125x80xi32, #tpu.memory_space<hbm>>
      %dma_wait3A_61 = tpu.memref_squeeze %dma_wait3A_60 : memref<1x125x80xi32, #tpu.memory_space<hbm>> -> memref<125x80xi32, #tpu.memory_space<hbm>>
      %dma_wait3A_62 = arith.constant 0 : i32
      %dma_wait3A_63 = arith.constant 0 : i32
      %dma_wait3A_64 = tpu.memref_slice %arg2[%add3A, %dma_wait3A_62, %dma_wait3A_63] : memref<32x125x80xi32, #tpu.memory_space<hbm>> -> memref<1x125x80xi32, #tpu.memory_space<hbm>>
      %dma_wait3A_65 = tpu.memref_squeeze %dma_wait3A_64 : memref<1x125x80xi32, #tpu.memory_space<hbm>> -> memref<125x80xi32, #tpu.memory_space<hbm>>
      tpu.wait_dma2 semaphore(%run_scoped3A : memref<!tpu.dma_semaphore, #tpu.memory_space<semaphore_mem>>) src(%dma_wait3A_65 : memref<125x80xi32, #tpu.memory_space<hbm>>) dst(%arg6 : memref<125x80xi32, #tpu.memory_space<vmem>>)
      tpu.yield
    }) : () -> ()
    %barrier3A = arith.constant 0 : index
    tpu.barrier barrier_id(%barrier3A)
    %scan3A = arith.constant 0 : i32
    %scan3A_5 = arith.constant 25 : i32
    %scan3A_6 = arith.addi %scan3A, %scan3A_5 : i32
    %scan3A_7 = arith.constant 1 : i32
    scf.for %scan3A_51 = %scan3A to %scan3A_6 step %scan3A_7  : i32 {
      %mul3A_52 = arith.constant 1 : i32
      %mul3A_53 = arith.muli %scan3A_51, %mul3A_52 : i32
      %add3A_54 = arith.constant 0 : i32
      %add3A_55 = arith.addi %add3A_54, %mul3A_53 : i32
      %mul3A_56 = arith.constant 5 : i32
      %mul3A_57 = arith.muli %add3A_55, %mul3A_56 : i32
      %add3A_58 = arith.constant 0 : i32
      %add3A_59 = arith.addi %mul3A_57, %add3A_58 : i32
      %ge3A = arith.constant 5 : i32
      %ge3A_60 = arith.cmpi sge, %add3A_59, %ge3A : i32
      %convert_element_type3A_61 = arith.extui %ge3A_60 : i1 to i32
      %cond3A_62 = arith.constant 0 : i32
      %cond3A_63 = arith.cmpi ne, %convert_element_type3A_61, %cond3A_62 : i32
      scf.if %cond3A_63 {
        %dma_wait3A_121 = arith.constant 0 : i32
        %dma_wait3A_122 = arith.constant 0 : i32
        %dma_wait3A_123 = tpu.memref_slice %arg6[%dma_wait3A_121, %dma_wait3A_122] : memref<125x80xi32, #tpu.memory_space<vmem>> -> memref<1x80xi32, #tpu.memory_space<vmem>>
        %dma_wait3A_124 = tpu.memref_squeeze %dma_wait3A_123 : memref<1x80xi32, #tpu.memory_space<vmem>> -> memref<80xi32, #tpu.memory_space<vmem>>
        %dma_wait3A_125 = arith.constant 0 : i32
        %dma_wait3A_126 = arith.constant 0 : i32
        %dma_wait3A_127 = tpu.memref_slice %arg8[%dma_wait3A_125, %dma_wait3A_126] : memref<10000x16xf32, #tpu.memory_space<vmem_shared>> -> memref<10000x16xf32, #tpu.memory_space<vmem_shared>>
        tpu.wait_indirect_dma semaphore(%arg9 : memref<!tpu.dma_semaphore, #tpu.memory_space<semaphore_mem>>) src(%arg7 : memref<80x16xf32, #tpu.memory_space<vmem>>) dst(%dma_wait3A_127 : memref<10000x16xf32, #tpu.memory_space<vmem_shared>>)
      } else {
      }
      %dma_start3A = arith.constant 0 : i32
      %dma_start3A_64 = tpu.memref_slice %arg6[%add3A_59, %dma_start3A] : memref<125x80xi32, #tpu.memory_space<vmem>> -> memref<1x80xi32, #tpu.memory_space<vmem>>
      %dma_start3A_65 = tpu.memref_squeeze %dma_start3A_64 : memref<1x80xi32, #tpu.memory_space<vmem>> -> memref<80xi32, #tpu.memory_space<vmem>>
      %dma_start3A_66 = arith.constant 0 : i32
      %dma_start3A_67 = arith.constant 0 : i32
      %dma_start3A_68 = tpu.memref_slice %arg8[%dma_start3A_66, %dma_start3A_67] : memref<10000x16xf32, #tpu.memory_space<vmem_shared>> -> memref<10000x16xf32, #tpu.memory_space<vmem_shared>>
      tpu.enqueue_indirect_dma source(%arg7 : memref<80x16xf32, #tpu.memory_space<vmem>>) target(%dma_start3A_68 : memref<10000x16xf32, #tpu.memory_space<vmem_shared>>) offsets(%dma_start3A_65 : memref<80xi32, #tpu.memory_space<vmem>>) semaphore(%arg9 : memref<!tpu.dma_semaphore, #tpu.memory_space<semaphore_mem>>) {add = true}
      %add3A_69 = arith.constant 1 : i32
      %add3A_70 = arith.addi %mul3A_57, %add3A_69 : i32
      %ge3A_71 = arith.constant 5 : i32
      %ge3A_72 = arith.cmpi sge, %add3A_70, %ge3A_71 : i32
      %convert_element_type3A_73 = arith.extui %ge3A_72 : i1 to i32
      %cond3A_74 = arith.constant 0 : i32
      %cond3A_75 = arith.cmpi ne, %convert_element_type3A_73, %cond3A_74 : i32
      scf.if %cond3A_75 {
        %dma_wait3A_121 = arith.constant 0 : i32
        %dma_wait3A_122 = arith.constant 0 : i32
        %dma_wait3A_123 = tpu.memref_slice %arg6[%dma_wait3A_121, %dma_wait3A_122] : memref<125x80xi32, #tpu.memory_space<vmem>> -> memref<1x80xi32, #tpu.memory_space<vmem>>
        %dma_wait3A_124 = tpu.memref_squeeze %dma_wait3A_123 : memref<1x80xi32, #tpu.memory_space<vmem>> -> memref<80xi32, #tpu.memory_space<vmem>>
        %dma_wait3A_125 = arith.constant 0 : i32
        %dma_wait3A_126 = arith.constant 0 : i32
        %dma_wait3A_127 = tpu.memref_slice %arg8[%dma_wait3A_125, %dma_wait3A_126] : memref<10000x16xf32, #tpu.memory_space<vmem_shared>> -> memref<10000x16xf32, #tpu.memory_space<vmem_shared>>
        tpu.wait_indirect_dma semaphore(%arg10 : memref<!tpu.dma_semaphore, #tpu.memory_space<semaphore_mem>>) src(%arg7 : memref<80x16xf32, #tpu.memory_space<vmem>>) dst(%dma_wait3A_127 : memref<10000x16xf32, #tpu.memory_space<vmem_shared>>)
      } else {
      }
      %dma_start3A_76 = arith.constant 0 : i32
      %dma_start3A_77 = tpu.memref_slice %arg6[%add3A_70, %dma_start3A_76] : memref<125x80xi32, #tpu.memory_space<vmem>> -> memref<1x80xi32, #tpu.memory_space<vmem>>
      %dma_start3A_78 = tpu.memref_squeeze %dma_start3A_77 : memref<1x80xi32, #tpu.memory_space<vmem>> -> memref<80xi32, #tpu.memory_space<vmem>>
      %dma_start3A_79 = arith.constant 0 : i32
      %dma_start3A_80 = arith.constant 0 : i32
      %dma_start3A_81 = tpu.memref_slice %arg8[%dma_start3A_79, %dma_start3A_80] : memref<10000x16xf32, #tpu.memory_space<vmem_shared>> -> memref<10000x16xf32, #tpu.memory_space<vmem_shared>>
      tpu.enqueue_indirect_dma source(%arg7 : memref<80x16xf32, #tpu.memory_space<vmem>>) target(%dma_start3A_81 : memref<10000x16xf32, #tpu.memory_space<vmem_shared>>) offsets(%dma_start3A_78 : memref<80xi32, #tpu.memory_space<vmem>>) semaphore(%arg10 : memref<!tpu.dma_semaphore, #tpu.memory_space<semaphore_mem>>) {add = true}
      %add3A_82 = arith.constant 2 : i32
      %add3A_83 = arith.addi %mul3A_57, %add3A_82 : i32
      %ge3A_84 = arith.constant 5 : i32
      %ge3A_85 = arith.cmpi sge, %add3A_83, %ge3A_84 : i32
      %convert_element_type3A_86 = arith.extui %ge3A_85 : i1 to i32
      %cond3A_87 = arith.constant 0 : i32
      %cond3A_88 = arith.cmpi ne, %convert_element_type3A_86, %cond3A_87 : i32
      scf.if %cond3A_88 {
        %dma_wait3A_121 = arith.constant 0 : i32
        %dma_wait3A_122 = arith.constant 0 : i32
        %dma_wait3A_123 = tpu.memref_slice %arg6[%dma_wait3A_121, %dma_wait3A_122] : memref<125x80xi32, #tpu.memory_space<vmem>> -> memref<1x80xi32, #tpu.memory_space<vmem>>
        %dma_wait3A_124 = tpu.memref_squeeze %dma_wait3A_123 : memref<1x80xi32, #tpu.memory_space<vmem>> -> memref<80xi32, #tpu.memory_space<vmem>>
        %dma_wait3A_125 = arith.constant 0 : i32
        %dma_wait3A_126 = arith.constant 0 : i32
        %dma_wait3A_127 = tpu.memref_slice %arg8[%dma_wait3A_125, %dma_wait3A_126] : memref<10000x16xf32, #tpu.memory_space<vmem_shared>> -> memref<10000x16xf32, #tpu.memory_space<vmem_shared>>
        tpu.wait_indirect_dma semaphore(%arg11 : memref<!tpu.dma_semaphore, #tpu.memory_space<semaphore_mem>>) src(%arg7 : memref<80x16xf32, #tpu.memory_space<vmem>>) dst(%dma_wait3A_127 : memref<10000x16xf32, #tpu.memory_space<vmem_shared>>)
      } else {
      }
      %dma_start3A_89 = arith.constant 0 : i32
      %dma_start3A_90 = tpu.memref_slice %arg6[%add3A_83, %dma_start3A_89] : memref<125x80xi32, #tpu.memory_space<vmem>> -> memref<1x80xi32, #tpu.memory_space<vmem>>
      %dma_start3A_91 = tpu.memref_squeeze %dma_start3A_90 : memref<1x80xi32, #tpu.memory_space<vmem>> -> memref<80xi32, #tpu.memory_space<vmem>>
      %dma_start3A_92 = arith.constant 0 : i32
      %dma_start3A_93 = arith.constant 0 : i32
      %dma_start3A_94 = tpu.memref_slice %arg8[%dma_start3A_92, %dma_start3A_93] : memref<10000x16xf32, #tpu.memory_space<vmem_shared>> -> memref<10000x16xf32, #tpu.memory_space<vmem_shared>>
      tpu.enqueue_indirect_dma source(%arg7 : memref<80x16xf32, #tpu.memory_space<vmem>>) target(%dma_start3A_94 : memref<10000x16xf32, #tpu.memory_space<vmem_shared>>) offsets(%dma_start3A_91 : memref<80xi32, #tpu.memory_space<vmem>>) semaphore(%arg11 : memref<!tpu.dma_semaphore, #tpu.memory_space<semaphore_mem>>) {add = true}
      %add3A_95 = arith.constant 3 : i32
      %add3A_96 = arith.addi %mul3A_57, %add3A_95 : i32
      %ge3A_97 = arith.constant 5 : i32
      %ge3A_98 = arith.cmpi sge, %add3A_96, %ge3A_97 : i32
      %convert_element_type3A_99 = arith.extui %ge3A_98 : i1 to i32
      %cond3A_100 = arith.constant 0 : i32
      %cond3A_101 = arith.cmpi ne, %convert_element_type3A_99, %cond3A_100 : i32
      scf.if %cond3A_101 {
        %dma_wait3A_121 = arith.constant 0 : i32
        %dma_wait3A_122 = arith.constant 0 : i32
        %dma_wait3A_123 = tpu.memref_slice %arg6[%dma_wait3A_121, %dma_wait3A_122] : memref<125x80xi32, #tpu.memory_space<vmem>> -> memref<1x80xi32, #tpu.memory_space<vmem>>
        %dma_wait3A_124 = tpu.memref_squeeze %dma_wait3A_123 : memref<1x80xi32, #tpu.memory_space<vmem>> -> memref<80xi32, #tpu.memory_space<vmem>>
        %dma_wait3A_125 = arith.constant 0 : i32
        %dma_wait3A_126 = arith.constant 0 : i32
        %dma_wait3A_127 = tpu.memref_slice %arg8[%dma_wait3A_125, %dma_wait3A_126] : memref<10000x16xf32, #tpu.memory_space<vmem_shared>> -> memref<10000x16xf32, #tpu.memory_space<vmem_shared>>
        tpu.wait_indirect_dma semaphore(%arg12 : memref<!tpu.dma_semaphore, #tpu.memory_space<semaphore_mem>>) src(%arg7 : memref<80x16xf32, #tpu.memory_space<vmem>>) dst(%dma_wait3A_127 : memref<10000x16xf32, #tpu.memory_space<vmem_shared>>)
      } else {
      }
      %dma_start3A_102 = arith.constant 0 : i32
      %dma_start3A_103 = tpu.memref_slice %arg6[%add3A_96, %dma_start3A_102] : memref<125x80xi32, #tpu.memory_space<vmem>> -> memref<1x80xi32, #tpu.memory_space<vmem>>
      %dma_start3A_104 = tpu.memref_squeeze %dma_start3A_103 : memref<1x80xi32, #tpu.memory_space<vmem>> -> memref<80xi32, #tpu.memory_space<vmem>>
      %dma_start3A_105 = arith.constant 0 : i32
      %dma_start3A_106 = arith.constant 0 : i32
      %dma_start3A_107 = tpu.memref_slice %arg8[%dma_start3A_105, %dma_start3A_106] : memref<10000x16xf32, #tpu.memory_space<vmem_shared>> -> memref<10000x16xf32, #tpu.memory_space<vmem_shared>>
      tpu.enqueue_indirect_dma source(%arg7 : memref<80x16xf32, #tpu.memory_space<vmem>>) target(%dma_start3A_107 : memref<10000x16xf32, #tpu.memory_space<vmem_shared>>) offsets(%dma_start3A_104 : memref<80xi32, #tpu.memory_space<vmem>>) semaphore(%arg12 : memref<!tpu.dma_semaphore, #tpu.memory_space<semaphore_mem>>) {add = true}
      %add3A_108 = arith.constant 4 : i32
      %add3A_109 = arith.addi %mul3A_57, %add3A_108 : i32
      %ge3A_110 = arith.constant 5 : i32
      %ge3A_111 = arith.cmpi sge, %add3A_109, %ge3A_110 : i32
      %convert_element_type3A_112 = arith.extui %ge3A_111 : i1 to i32
      %cond3A_113 = arith.constant 0 : i32
      %cond3A_114 = arith.cmpi ne, %convert_element_type3A_112, %cond3A_113 : i32
      scf.if %cond3A_114 {
        %dma_wait3A_121 = arith.constant 0 : i32
        %dma_wait3A_122 = arith.constant 0 : i32
        %dma_wait3A_123 = tpu.memref_slice %arg6[%dma_wait3A_121, %dma_wait3A_122] : memref<125x80xi32, #tpu.memory_space<vmem>> -> memref<1x80xi32, #tpu.memory_space<vmem>>
        %dma_wait3A_124 = tpu.memref_squeeze %dma_wait3A_123 : memref<1x80xi32, #tpu.memory_space<vmem>> -> memref<80xi32, #tpu.memory_space<vmem>>
        %dma_wait3A_125 = arith.constant 0 : i32
        %dma_wait3A_126 = arith.constant 0 : i32
        %dma_wait3A_127 = tpu.memref_slice %arg8[%dma_wait3A_125, %dma_wait3A_126] : memref<10000x16xf32, #tpu.memory_space<vmem_shared>> -> memref<10000x16xf32, #tpu.memory_space<vmem_shared>>
        tpu.wait_indirect_dma semaphore(%arg13 : memref<!tpu.dma_semaphore, #tpu.memory_space<semaphore_mem>>) src(%arg7 : memref<80x16xf32, #tpu.memory_space<vmem>>) dst(%dma_wait3A_127 : memref<10000x16xf32, #tpu.memory_space<vmem_shared>>)
      } else {
      }
      %dma_start3A_115 = arith.constant 0 : i32
      %dma_start3A_116 = tpu.memref_slice %arg6[%add3A_109, %dma_start3A_115] : memref<125x80xi32, #tpu.memory_space<vmem>> -> memref<1x80xi32, #tpu.memory_space<vmem>>
      %dma_start3A_117 = tpu.memref_squeeze %dma_start3A_116 : memref<1x80xi32, #tpu.memory_space<vmem>> -> memref<80xi32, #tpu.memory_space<vmem>>
      %dma_start3A_118 = arith.constant 0 : i32
      %dma_start3A_119 = arith.constant 0 : i32
      %dma_start3A_120 = tpu.memref_slice %arg8[%dma_start3A_118, %dma_start3A_119] : memref<10000x16xf32, #tpu.memory_space<vmem_shared>> -> memref<10000x16xf32, #tpu.memory_space<vmem_shared>>
      tpu.enqueue_indirect_dma source(%arg7 : memref<80x16xf32, #tpu.memory_space<vmem>>) target(%dma_start3A_120 : memref<10000x16xf32, #tpu.memory_space<vmem_shared>>) offsets(%dma_start3A_117 : memref<80xi32, #tpu.memory_space<vmem>>) semaphore(%arg13 : memref<!tpu.dma_semaphore, #tpu.memory_space<semaphore_mem>>) {add = true}
    }
    %scan3A_8 = arith.constant 25 : i32
    %dma_wait3A = arith.constant 0 : i32
    %dma_wait3A_9 = arith.constant 0 : i32
    %dma_wait3A_10 = tpu.memref_slice %arg6[%dma_wait3A, %dma_wait3A_9] : memref<125x80xi32, #tpu.memory_space<vmem>> -> memref<1x80xi32, #tpu.memory_space<vmem>>
    %dma_wait3A_11 = tpu.memref_squeeze %dma_wait3A_10 : memref<1x80xi32, #tpu.memory_space<vmem>> -> memref<80xi32, #tpu.memory_space<vmem>>
    %dma_wait3A_12 = arith.constant 0 : i32
    %dma_wait3A_13 = arith.constant 0 : i32
    %dma_wait3A_14 = tpu.memref_slice %arg8[%dma_wait3A_12, %dma_wait3A_13] : memref<10000x16xf32, #tpu.memory_space<vmem_shared>> -> memref<10000x16xf32, #tpu.memory_space<vmem_shared>>
    tpu.wait_indirect_dma semaphore(%arg9 : memref<!tpu.dma_semaphore, #tpu.memory_space<semaphore_mem>>) src(%arg7 : memref<80x16xf32, #tpu.memory_space<vmem>>) dst(%dma_wait3A_14 : memref<10000x16xf32, #tpu.memory_space<vmem_shared>>)
    %dma_wait3A_15 = arith.constant 0 : i32
    %dma_wait3A_16 = arith.constant 0 : i32
    %dma_wait3A_17 = tpu.memref_slice %arg6[%dma_wait3A_15, %dma_wait3A_16] : memref<125x80xi32, #tpu.memory_space<vmem>> -> memref<1x80xi32, #tpu.memory_space<vmem>>
    %dma_wait3A_18 = tpu.memref_squeeze %dma_wait3A_17 : memref<1x80xi32, #tpu.memory_space<vmem>> -> memref<80xi32, #tpu.memory_space<vmem>>
    %dma_wait3A_19 = arith.constant 0 : i32
    %dma_wait3A_20 = arith.constant 0 : i32
    %dma_wait3A_21 = tpu.memref_slice %arg8[%dma_wait3A_19, %dma_wait3A_20] : memref<10000x16xf32, #tpu.memory_space<vmem_shared>> -> memref<10000x16xf32, #tpu.memory_space<vmem_shared>>
    tpu.wait_indirect_dma semaphore(%arg10 : memref<!tpu.dma_semaphore, #tpu.memory_space<semaphore_mem>>) src(%arg7 : memref<80x16xf32, #tpu.memory_space<vmem>>) dst(%dma_wait3A_21 : memref<10000x16xf32, #tpu.memory_space<vmem_shared>>)
    %dma_wait3A_22 = arith.constant 0 : i32
    %dma_wait3A_23 = arith.constant 0 : i32
    %dma_wait3A_24 = tpu.memref_slice %arg6[%dma_wait3A_22, %dma_wait3A_23] : memref<125x80xi32, #tpu.memory_space<vmem>> -> memref<1x80xi32, #tpu.memory_space<vmem>>
    %dma_wait3A_25 = tpu.memref_squeeze %dma_wait3A_24 : memref<1x80xi32, #tpu.memory_space<vmem>> -> memref<80xi32, #tpu.memory_space<vmem>>
    %dma_wait3A_26 = arith.constant 0 : i32
    %dma_wait3A_27 = arith.constant 0 : i32
    %dma_wait3A_28 = tpu.memref_slice %arg8[%dma_wait3A_26, %dma_wait3A_27] : memref<10000x16xf32, #tpu.memory_space<vmem_shared>> -> memref<10000x16xf32, #tpu.memory_space<vmem_shared>>
    tpu.wait_indirect_dma semaphore(%arg11 : memref<!tpu.dma_semaphore, #tpu.memory_space<semaphore_mem>>) src(%arg7 : memref<80x16xf32, #tpu.memory_space<vmem>>) dst(%dma_wait3A_28 : memref<10000x16xf32, #tpu.memory_space<vmem_shared>>)
    %dma_wait3A_29 = arith.constant 0 : i32
    %dma_wait3A_30 = arith.constant 0 : i32
    %dma_wait3A_31 = tpu.memref_slice %arg6[%dma_wait3A_29, %dma_wait3A_30] : memref<125x80xi32, #tpu.memory_space<vmem>> -> memref<1x80xi32, #tpu.memory_space<vmem>>
    %dma_wait3A_32 = tpu.memref_squeeze %dma_wait3A_31 : memref<1x80xi32, #tpu.memory_space<vmem>> -> memref<80xi32, #tpu.memory_space<vmem>>
    %dma_wait3A_33 = arith.constant 0 : i32
    %dma_wait3A_34 = arith.constant 0 : i32
    %dma_wait3A_35 = tpu.memref_slice %arg8[%dma_wait3A_33, %dma_wait3A_34] : memref<10000x16xf32, #tpu.memory_space<vmem_shared>> -> memref<10000x16xf32, #tpu.memory_space<vmem_shared>>
    tpu.wait_indirect_dma semaphore(%arg12 : memref<!tpu.dma_semaphore, #tpu.memory_space<semaphore_mem>>) src(%arg7 : memref<80x16xf32, #tpu.memory_space<vmem>>) dst(%dma_wait3A_35 : memref<10000x16xf32, #tpu.memory_space<vmem_shared>>)
    %dma_wait3A_36 = arith.constant 0 : i32
    %dma_wait3A_37 = arith.constant 0 : i32
    %dma_wait3A_38 = tpu.memref_slice %arg6[%dma_wait3A_36, %dma_wait3A_37] : memref<125x80xi32, #tpu.memory_space<vmem>> -> memref<1x80xi32, #tpu.memory_space<vmem>>
    %dma_wait3A_39 = tpu.memref_squeeze %dma_wait3A_38 : memref<1x80xi32, #tpu.memory_space<vmem>> -> memref<80xi32, #tpu.memory_space<vmem>>
    %dma_wait3A_40 = arith.constant 0 : i32
    %dma_wait3A_41 = arith.constant 0 : i32
    %dma_wait3A_42 = tpu.memref_slice %arg8[%dma_wait3A_40, %dma_wait3A_41] : memref<10000x16xf32, #tpu.memory_space<vmem_shared>> -> memref<10000x16xf32, #tpu.memory_space<vmem_shared>>
    tpu.wait_indirect_dma semaphore(%arg13 : memref<!tpu.dma_semaphore, #tpu.memory_space<semaphore_mem>>) src(%arg7 : memref<80x16xf32, #tpu.memory_space<vmem>>) dst(%dma_wait3A_42 : memref<10000x16xf32, #tpu.memory_space<vmem_shared>>)
    %barrier3A_43 = arith.constant 0 : index
    tpu.barrier barrier_id(%barrier3A_43)
    %mul3A_44 = arith.constant 624 : i32
    %mul3A_45 = arith.muli %arg1, %mul3A_44 : i32
    "tpu.region"() ({
      %run_scoped3A = tpu.sem_alloc : memref<!tpu.dma_semaphore, #tpu.memory_space<semaphore_mem>>
      %dma_start3A = arith.constant 0 : i32
      %dma_start3A_51 = tpu.memref_slice %arg5[%arg0, %mul3A_45, %dma_start3A] : memref<2x10000x16xf32, #tpu.memory_space<hbm>> -> memref<1x624x16xf32, #tpu.memory_space<hbm>>
      %dma_start3A_52 = tpu.memref_squeeze %dma_start3A_51 : memref<1x624x16xf32, #tpu.memory_space<hbm>> -> memref<624x16xf32, #tpu.memory_space<hbm>>
      %dma_start3A_53 = arith.constant 0 : i32
      %dma_start3A_54 = tpu.memref_slice %arg8[%mul3A_45, %dma_start3A_53] : memref<10000x16xf32, #tpu.memory_space<vmem_shared>> -> memref<624x16xf32, #tpu.memory_space<vmem_shared>>
      tpu.enqueue_dma source(%dma_start3A_54 : memref<624x16xf32, #tpu.memory_space<vmem_shared>>) target(%dma_start3A_52 : memref<624x16xf32, #tpu.memory_space<hbm>>) target_semaphore(%run_scoped3A : memref<!tpu.dma_semaphore, #tpu.memory_space<semaphore_mem>>)
      %dma_wait3A_55 = arith.constant 0 : i32
      %dma_wait3A_56 = tpu.memref_slice %arg5[%arg0, %mul3A_45, %dma_wait3A_55] : memref<2x10000x16xf32, #tpu.memory_space<hbm>> -> memref<1x624x16xf32, #tpu.memory_space<hbm>>
      %dma_wait3A_57 = tpu.memref_squeeze %dma_wait3A_56 : memref<1x624x16xf32, #tpu.memory_space<hbm>> -> memref<624x16xf32, #tpu.memory_space<hbm>>
      %dma_wait3A_58 = arith.constant 0 : i32
      %dma_wait3A_59 = tpu.memref_slice %arg8[%mul3A_45, %dma_wait3A_58] : memref<10000x16xf32, #tpu.memory_space<vmem_shared>> -> memref<624x16xf32, #tpu.memory_space<vmem_shared>>
      tpu.wait_dma2 semaphore(%run_scoped3A : memref<!tpu.dma_semaphore, #tpu.memory_space<semaphore_mem>>) src(%dma_wait3A_59 : memref<624x16xf32, #tpu.memory_space<vmem_shared>>) dst(%dma_wait3A_57 : memref<624x16xf32, #tpu.memory_space<hbm>>)
      tpu.yield
    }) : () -> ()
    %eq3A_46 = arith.constant 15 : i32
    %eq3A_47 = arith.cmpi eq, %arg1, %eq3A_46 : i32
    %convert_element_type3A_48 = arith.extui %eq3A_47 : i1 to i32
    %cond3A_49 = arith.constant 0 : i32
    %cond3A_50 = arith.cmpi ne, %convert_element_type3A_48, %cond3A_49 : i32
    scf.if %cond3A_50 {
      "tpu.region"() ({
        %run_scoped3A = tpu.sem_alloc : memref<!tpu.dma_semaphore, #tpu.memory_space<semaphore_mem>>
        %dma_start3A = arith.constant 9984 : i32
        %dma_start3A_51 = arith.constant 0 : i32
        %dma_start3A_52 = tpu.memref_slice %arg5[%arg0, %dma_start3A, %dma_start3A_51] : memref<2x10000x16xf32, #tpu.memory_space<hbm>> -> memref<1x16x16xf32, #tpu.memory_space<hbm>>
        %dma_start3A_53 = tpu.memref_squeeze %dma_start3A_52 : memref<1x16x16xf32, #tpu.memory_space<hbm>> -> memref<16x16xf32, #tpu.memory_space<hbm>>
        %dma_start3A_54 = arith.constant 9984 : i32
        %dma_start3A_55 = arith.constant 0 : i32
        %dma_start3A_56 = tpu.memref_slice %arg8[%dma_start3A_54, %dma_start3A_55] : memref<10000x16xf32, #tpu.memory_space<vmem_shared>> -> memref<16x16xf32, #tpu.memory_space<vmem_shared>>
        tpu.enqueue_dma source(%dma_start3A_56 : memref<16x16xf32, #tpu.memory_space<vmem_shared>>) target(%dma_start3A_53 : memref<16x16xf32, #tpu.memory_space<hbm>>) target_semaphore(%run_scoped3A : memref<!tpu.dma_semaphore, #tpu.memory_space<semaphore_mem>>)
        %dma_wait3A_57 = arith.constant 9984 : i32
        %dma_wait3A_58 = arith.constant 0 : i32
        %dma_wait3A_59 = tpu.memref_slice %arg5[%arg0, %dma_wait3A_57, %dma_wait3A_58] : memref<2x10000x16xf32, #tpu.memory_space<hbm>> -> memref<1x16x16xf32, #tpu.memory_space<hbm>>
        %dma_wait3A_60 = tpu.memref_squeeze %dma_wait3A_59 : memref<1x16x16xf32, #tpu.memory_space<hbm>> -> memref<16x16xf32, #tpu.memory_space<hbm>>
        %dma_wait3A_61 = arith.constant 9984 : i32
        %dma_wait3A_62 = arith.constant 0 : i32
        %dma_wait3A_63 = tpu.memref_slice %arg8[%dma_wait3A_61, %dma_wait3A_62] : memref<10000x16xf32, #tpu.memory_space<vmem_shared>> -> memref<16x16xf32, #tpu.memory_space<vmem_shared>>
        tpu.wait_dma2 semaphore(%run_scoped3A : memref<!tpu.dma_semaphore, #tpu.memory_space<semaphore_mem>>) src(%dma_wait3A_63 : memref<16x16xf32, #tpu.memory_space<vmem_shared>>) dst(%dma_wait3A_60 : memref<16x16xf32, #tpu.memory_space<hbm>>)
        tpu.yield
      }) : () -> ()
    } else {
    }
    return
  }
}

</mosaic_0001>

<sc_bundles>
// kernel: _degree.3.cloned.1.call-start
scs
__scs_entry_jumppad:
0x0: {  	(pc) =	sbr.rel $0x88, $3  }
0x1: {  	(tag) =	ssettag $0x0;
	lr =	simm.s32 $0x1  }
0x2: {  	[smem:$0x3F9E] =	sst lr;
	_ =	strace $0xD0000000  }
0x3: {  	_ = 	snop  }
0x4: {  	_ = 	snop  }
0x5: {  	_ = 	snop  }
0x6: {  	_ = 	snop  }
0x7: {  	_ = 	snop  }
__scs_overlays_trampoline_lowered:
0x8: {  	[smem:$0x3FAD] =	sst s0  }
0x9: {  	[smem:$0x3FAE] =	sst s1  }
0xa: {  	[smem:$0x3FAF] =	sst s2  }
0xb: {  	[smem:$0x3FB0] =	sst s3  }
0xc: {  	[smem:$0x3FB1] =	sst s4  }
0xd: {  	[smem:$0x3FB2] =	sst s5  }
0xe: {  	[smem:$0x3FB3] =	sst s6  }
0xf: {  	[smem:$0x3FB4] =	sst s7  }
0x10: {  	[smem:$0x3FB5] =	sst s8  }
0x11: {  	[smem:$0x3FB6] =	sst s9;
	s0 =	simm.s32 @!p0 $0x0  }
0x12: {  	s1 =	sld [smem:$0x3F9C];
	s0 =	simm.s32 @p0 $0x1  }
0x13: {  	[smem:$0x3FB7] =	sst s0;
	s0 =	simm.s32 @!p1 $0x0  }
0x14: {  	s2 =	sld [smem:$0x3F9B];
	s0 =	simm.s32 @p1 $0x1  }
0x15: {  	[smem:$0x3FB8] =	sst s0;
	s0 =	simm.s32 @!p2 $0x0  }
0x16: {  	s3 =	sld [smem:$0x3FDB];
	s0 =	simm.s32 @p2 $0x1  }
0x17: {  	s4 =	simm.s32 $0x1BF5;
	[smem:$0x3FBA] =	sst s0  }
0x18: {  	s0 =	sld [smem:$0x3F9D];
	_ =	swait.ge [sflag:s4], $0x0  }
0x19: {  	s7 =	sld [smem:$0x3F9E]  }
0x1a: {  	s8 =	sadd.s32 $0xFFFFE003, lr  }
0x1b: {  	s9 =	sadd.s32 $0xFFFFFEF7, lr;
	s5 =	simm.s32 $0xFFFFFFFF;
	p2 =	slt.u32 s8, $0xFFFFF086  }
0x1c: {  	p1 =	slt.u32 s9, $0xF7A;
	s5 =	simm.s32 @!p2 $0x0  }
0x1d: {  	s5 =	simm.s32 @p1 $0x1;
	p0 =	seq.s32 s7, s2  }
0x1e: {  	s7 =	smul.u32 @!p0 $0xF7A, s2;
	p2 =	seq.s32 @!p0 s5, $0x0  }
0x1f: {  	s9 =	smul.u32 $0xF7A, s1;
	s8 =	simm.s32 @!p0 $0x1BF5;
	p2 =	por !p2, p0  }
0x20: {  	[sflag:s8] =	ssyncset.s32 @!p0 $0xFFFFF086;
	s6 =	sadd.s32 @!p0 s3, s7;
	s7 =	simm.s32 @!p0 $0x108  }
0x21: {  	s3 =	sadd.s32 s3, s9;
	s6 =	sadd.s32 @!p0 $0x88, s6;
	s7 =	simm.s32 @p2 $0x1082  }
0x22: {  	[simem:s7], [sflag:s8] =	dma.local @!p0 [hbm:s6], $0xF7A  }
0x23: {  	s9 =	sor.u32 $0xD0000000, s2;
	s6 =	simm.s32 $0x108;
	_ =	swait.ge @!p0 [sflag:s8], $0x0  }
0x24: {  	s3 =	sadd.s32 $0x88, s3;
	s6 =	simm.s32 @!p1 $0x1082;
	[sflag:s4] =	ssyncset.s32 $0xFFFFF086  }
0x25: {  	[simem:s6], [sflag:s4] =	dma.local [hbm:s3], $0xF7A  }
0x26: {  	[smem:$0x3F9E] =	sst s1;
	(tag) =	ssettag s2;
	_ =	strace s9  }
0x27: {  	s1 =	sld [smem:$0x3FAE]  }
0x28: {  	s2 =	sld [smem:$0x3FAF]  }
0x29: {  	s4 =	sld [smem:$0x3FB1]  }
0x2a: {  	p0 =	seq.s32 s5, $0x0;
	s5 =	sld [smem:$0x3FB2]  }
0x2b: {  	s6 =	sld [smem:$0x3FB3]  }
0x2c: {  	s7 =	sld [smem:$0x3FB4]  }
0x2d: {  	s3 =	simm.s32 $0x108;
	s8 =	sld [smem:$0x3FB5]  }
0x2e: {  	s3 =	simm.s32 @!p0 $0x1082;
	s9 =	sld [smem:$0x3FB6]  }
0x2f: {  	lr =	sadd.s32 s0, s3;
	s0 =	sld [smem:$0x3FAD]  }
0x30: {  	s3 =	sld [smem:$0x3FB0]  }
0x31: {  	[smem:$0x3FB9] =	sst s10  }
0x32: {  	s10 =	sld [smem:$0x3FB7];
	_ =	sdelay $0x3  }
0x33: {  	p0 =	seq.s32 s10, $0x1;
	s10 =	sld [smem:$0x3FB9];
	_ =	sdelay $0x3  }
0x34: {  	[smem:$0x3FB9] =	sst s10  }
0x35: {  	s10 =	sld [smem:$0x3FB8];
	_ =	sdelay $0x3  }
0x36: {  	p1 =	seq.s32 s10, $0x1;
	s10 =	sld [smem:$0x3FB9];
	_ =	sdelay $0x3  }
0x37: {  	[smem:$0x3FB9] =	sst s10  }
0x38: {  	s10 =	sld [smem:$0x3FBA]  }
0x39: {  	_ = 	snop;
	(pc) =	sbr.ind lr, $3  }
0x3a: {  	_ = 	snop  }
0x3b: {  	_ = 	snop  }
0x3c: {  	p2 =	seq.s32 s10, $0x1;
	s10 =	sld [smem:$0x3FB9]  }
0x3d: {  	_ =	shalt  }
0x3e: {  	_ =	shalt  }
0x3f: {  	_ =	shalt  }
0x40: {  	_ =	shalt  }
0x41: {  	_ =	shalt  }
0x42: {  	_ =	shalt  }
0x43: {  	_ =	shalt  }
0x44: {  	_ =	shalt  }
0x45: {  	_ =	shalt  }
0x46: {  	_ =	shalt  }
0x47: {  	_ =	shalt  }
0x48: {  	_ =	shalt  }
0x49: {  	_ =	shalt  }
0x4a: {  	_ =	shalt  }
0x4b: {  	_ =	shalt  }
0x4c: {  	_ =	shalt  }
0x4d: {  	_ =	shalt  }
0x4e: {  	_ =	shalt  }
0x4f: {  	_ =	shalt  }
0x50: {  	_ =	shalt  }
0x51: {  	_ =	shalt  }
0x52: {  	_ =	shalt  }
0x53: {  	_ =	shalt  }
0x54: {  	_ =	shalt  }
0x55: {  	_ =	shalt  }
0x56: {  	_ =	shalt  }
0x57: {  	_ =	shalt  }
0x58: {  	_ =	shalt  }
0x59: {  	_ =	shalt  }
0x5a: {  	_ =	shalt  }
0x5b: {  	_ =	shalt  }
0x5c: {  	_ =	shalt  }
0x5d: {  	_ =	shalt  }
0x5e: {  	_ =	shalt  }
0x5f: {  	_ =	shalt  }
0x60: {  	_ =	shalt  }
0x61: {  	_ =	shalt  }
0x62: {  	_ =	shalt  }
0x63: {  	_ =	shalt  }
0x64: {  	_ =	shalt  }
0x65: {  	_ =	shalt  }
0x66: {  	_ =	shalt  }
0x67: {  	_ =	shalt  }
0x68: {  	_ =	shalt  }
0x69: {  	_ =	shalt  }
0x6a: {  	_ =	shalt  }
0x6b: {  	_ =	shalt  }
0x6c: {  	_ =	shalt  }
0x6d: {  	_ =	shalt  }
0x6e: {  	_ =	shalt  }
0x6f: {  	_ =	shalt  }
0x70: {  	_ =	shalt  }
0x71: {  	_ =	shalt  }
0x72: {  	_ =	shalt  }
0x73: {  	_ =	shalt  }
0x74: {  	_ =	shalt  }
0x75: {  	_ =	shalt  }
0x76: {  	_ =	shalt  }
0x77: {  	_ =	shalt  }
0x78: {  	_ =	shalt  }
0x79: {  	_ =	shalt  }
0x7a: {  	_ =	shalt  }
0x7b: {  	_ =	shalt  }
0x7c: {  	_ =	shalt  }
0x7d: {  	_ =	shalt  }
0x7e: {  	_ =	shalt  }
0x7f: {  	_ =	shalt  }
0x80: {  	_ =	shalt  }
0x81: {  	_ =	shalt  }
0x82: {  	_ =	shalt  }
0x83: {  	_ =	shalt  }
0x84: {  	_ =	shalt  }
0x85: {  	_ =	shalt  }
0x86: {  	_ =	shalt  }
0x87: {  	_ =	shalt  }
.Lfunc_end0:
.L_simem_size_0:
called_computation_lowered:
.L_overlay_start_0:
0x88: {  	s2 =	sld [smem:$0x3FD9]  }
0x89: {  	s3 =	sld [smem:$0x3FFE];
	_ =	sdelay $0x1  }
0x8a: {  	s1 =	srdreg.scid  }
0x8b: {  	s0 =	sand.u32 $0x1, s1  }
0x8c: {  	s17 =	sshll.u32 s0, $0xA;
	s2 =	sadd.s32 s3, s2  }
0x8d: {  	s2 =	sadd.s32 s2, s17  }
0x8e: {  	[smem:$0x3FC5] =	sst s2  }
0x8f: {  	_ = 	snop  }
0x90: {  	s2 =	sld [smem:$0x3FD0];
	(tm) =	ssettm $0x1  }
0x91: {  	s18 =	sld [smem:$0x3FFB];
	_ =	sdelay $0x3  }
0x92: {  	_ =	strace s18  }
0x93: {  	s3 =	sld [smem:$0x3FFC];
	_ =	sdelay $0x3  }
0x94: {  	_ =	strace s3  }
0x95: {  	s3 =	sld [smem:$0x3FFD];
	_ =	sdelay $0x3  }
0x96: {  	_ =	strace s3  }
0x97: {  	_ =	strace $0x8FFFFFFF  }
0x98: {  	s19 =	sld [smem:$0x3FDB];
	_ =	sdelay $0x1  }
0x99: {  	s4 =	simm.s32 $_scs_section_size  }
0x9a: {  	s5 =	simm.s32 $_size__tile_overlayer_lowered;
	s6 =	simm.s32 $_tile_overlayer_lowered  }
0x9b: {  	s22 =	simm.s32 $0x1BFF;
	s21 =	sshll.u32 s6, $0x1;
	s3 =	sadd.s32 s4, s19  }
0x9c: {  	s7 =	simm.s32 $0x0;
	s20 =	sshll.u32 s5, $0x1;
	s5 =	sadd.s32 s21, s3  }
0x9d: {  	[timem:s7], [sflag:s22] =	dma.local [hbm:s5], s20  }
0x9e: {  	_ =	swait.ge [sflag:s22], s20  }
0x9f: {  	s4 =	ssub.s32 $0x0, s20;
	[sflag:s22] =	ssyncset.done $0x0  }
0xa0: {  	[sflag:s22] =	ssyncadd.s32 s4;
	_ =	sdelay $0x1  }
0xa1: {  	s23 =	simm.s32 $0x1B8B  }
0xa2: {  	_ =	swait.ge [sflag:s23], $0x1  }
0xa3: {  	[sflag:s23] =	ssyncset.done $0x0  }
0xa4: {  	s25 =	simm.s32 $0x1B8E;
	s24 =	sld [smem:$0x3FFE];
	[sflag:s23] =	ssyncadd.s32 $0xFFFFFFFF  }
0xa5: {  	s26 =	simm.s32 $execute0_lowered;
	[smem:$0x3FD2] =	sst s25  }
0xa6: {  	s5 =	sshll.u32 s26, $0x1;
	_ =	strace $0x80000046;
	[dreg:$0x1] =	wrdreg $0xFFFFFFFF  }
0xa7: {  	s28 =	simm.s32 $_size_execute0_lowered;
	s3 =	sadd.s32 s3, s5;
	[dreg:$0x0] =	wrdreg $0x0  }
0xa8: {  	s5 =	sshll.u32 s28, $0x1;
	[dreg:$0x2] =	wrdreg s3  }
0xa9: {  	[dreg:$0x3] =	wrdreg s5  }
0xaa: {  	[dreg:$0x4] =	wrdreg $0xC0  }
0xab: {  	_ =	task [dreg:s7], $0x5FFFF  }
0xac: {  	[dreg:$0x1] =	wrdreg $0xFFFFFFFF  }
0xad: {  	[dreg:$0x0] =	wrdreg $0x60  }
0xae: {  	[dreg:$0x2] =	wrdreg s2  }
0xaf: {  	[dreg:$0x3] =	wrdreg s24  }
0xb0: {  	[dreg:$0x4] =	wrdreg $0x2C100  }
0xb1: {  	[dreg:$0x5] =	wrdreg $0x9  }
0xb2: {  	_ =	task.clear_ibuf [dreg:s7], $0x6FFFF;
	_ =	strace $0x90000046  }
0xb3: {  	s29 =	simm.s32 $0x9;
	_ =	strace $0x80000048  }
0xb4: {  	_ =	swait.ge [sflag:s29], $0x1  }
0xb5: {  	[sflag:s29] =	ssyncadd.s32 $0xFFFFFFFF  }
0xb6: {  	_ =	strace $0x90000048  }
0xb7: {  	_ =	sfence  }
0xb8: {  	s30 =	sld [smem:$0x0];
	_ =	sdelay $0x2  }
0xb9: {  	s31 =	sshll.u32 s1, $0xD;
	s1 =	sshrl.u32 s1, $0x2  }
0xba: {  	s3 =	sand.u32 $0x4000, s31;
	s1 =	sadd.s32 s1, s30  }
0xbb: {  	s0 =	sor.u32 s3, s0;
	s1 =	sshll.u32 s1, $0x11  }
0xbc: {  	s0 =	sor.u32 s1, s0  }
0xbd: {  	s0 =	sadd.s32 $0x8F2B, s0  }
0xbe: {  	[sflag:s0] =	ssyncadd.remote.s32 $0x1  }
0xbf: {  	_ =	sfence.sel $0xFFFF  }
0xc0: {  	[dreg:$0x0] =	wrdreg $0xFFFFFFFF;
	(pc) =	sbr.abs _section_cstart, $3  }
0xc1: {  	[dreg:$0x1] =	wrdreg $0xFFFFFFFF  }
0xc2: {  	_ =	task.clear_ibuf [dreg:s7], $0x2FFFF;
	_ =	strace $0x9FFFFFFF  }
0xc3: {  	(tm) =	ssettm $0x7FFFFFFF  }
tec
execute0_lowered:
.L_overlay_start_1:
0x0: {  	(tag) =	ssettag $0x1  }
0x1: {  	s8 =	rddreg [dreg:$0x0]  }
0x2: {  	s7 =	rddreg [dreg:$0x1]  }
0x3: {  	s2 =	rddreg [dreg:$0x2]  }
0x4: {  	s1 =	stileid.u32;
	s0 =	rddreg [dreg:$0x3];
	s3 =	simm.s32 $0x0  }
0x5: {  	s4 =	srdreg.scid;
	s16 =	simm.s32 $0x50;
	s17 =	simm.s32 $0xA0  }
0x6: {  	s18 =	simm.s32 $0xF0;
	s19 =	simm.s32 $0x140;
	s20 =	simm.s32 $0x1  }
0x7: {  	s21 =	simm.s32 $0x2;
	s22 =	simm.s32 $0x3;
	s23 =	simm.s32 $0x4  }
0x8: {  	s24 =	simm.s32 $0x5;
	s25 =	simm.s32 $0x0;
	s9 =	smul.u32 $0x2700, s1  }
0x9: {  	[smem:$0x7FF] =	sst s3;
	s6 =	sand.u32 $0x1, s4;
	s4 =	sadd.s32 $0x600, s7  }
0xa: {  	s11 =	sadd.s32 $0x5800, s7;
	s14 =	sshll.u32 s1, $0x6;
	p0 =	sne.s32 s1, $0xF  }
0xb: {  	_ =	strace $0x80000047;
	s10 =	ssub.s32 $0x2, s6;
	s13 =	sshll.u32 s6, $0x4  }
0xc: {  	s15 =	smul.u32 $0x27100, s6;
	s6 =	sor.u32 $0x1C06, s14;
	s14 =	sadd.s32 $0x27000, s2  }
0xd: {  	s5 =	sshrl.u32 s9, $0x3;
	s12 =	sshrl.u32 s10, $0x1;
	s29 =	sor.u32 s1, s13  }
0xe: {  	s30 =	sadd.s32 s9, s2;
	s13 =	simm.s32 $0x6;
	s14 =	sshrl.u32 @!p0 s14, $0x3  }
0xf: {  	s5 =	sadd.s32 s5, s7;
	s12 =	ssub.s32 s10, s12;
	s10 =	smul.u32 $0x4E2, s29  }
0x10: {  	s7 =	sadd.s32 $0x5600, s7;
	s9 =	sadd.s32 s9, s15;
	s15 =	sshrl.u32 s15, $0x3  }
0x11: {  	s5 =	sadd.s32 $0x800, s5;
	s9 =	sshrl.u32 s9, $0x3;
	s31 =	sadd.s32 s11, s15  }
0x12: {  	s15 =	simm.s32 $0x2710;
	s8 =	sadd.s32 s8, s10;
	s9 =	sadd.s32 s11, s9  }
0x13: {  	s10 =	sadd.s32 $0x4E00, s31;
	s11 =	smax.u32 s12, $0x1;
	s12 =	sshrl.u32 s30, $0x3  }
.LBB2_1:
0x14: {  	[spmem:s12], [sflag:s6] =	dma.local [hbm:s5], $0x4E0  }
0x15: {  	_ =	swait.ge [sflag:s13], $0x4E0  }
0x16: {  	[sflag:s13] =	ssyncset.done $0x0  }
0x17: {  	s26 =	simm.s32 @!p0 $0x6;
	[sflag:s13] =	ssyncadd.s32 $0xFFFFFB20  }
0x18: {  	[spmem:s14], [sflag:s6] =	dma.local @!p0 [hbm:s7], $0x20  }
0x19: {  	_ =	swait.ge @!p0 [sflag:s26], $0x20  }
0x1a: {  	[sflag:s26] =	ssyncset.done @!p0 $0x0  }
0x1b: {  	[sflag:s26] =	ssyncadd.s32 @!p0 $0xFFFFFFE0  }
0x1c: {  	[tilespmem:s15], [sflag:$0x6] =	stream.linear.gather [hbm4b:s4+s3], $0x500, $0x38;
	[tilespmem:$0x5320] =	vst v63  }
0x1d: {  	_ =	swait.ge [sflag:s13], $0x500  }
0x1e: {  	[sflag:s13] =	ssyncset.done $0x0  }
0x1f: {  	[sflag:s13] =	ssyncadd.s32 $0xFFFFFB00  }
0x20: {  	[tilespmem:s3], [sflag:$0x6] =	stream.linear.gather [hbm4b:s8+s3], $0x2710, $0x38;
	[tilespmem:$0x5320] =	vst v63  }
0x21: {  	_ =	swait.ge [sflag:s13], $0x2710  }
0x22: {  	[sflag:s13] =	ssyncset.done $0x0  }
0x23: {  	[sflag:s13] =	ssyncadd.s32 $0xFFFFD8F0  }
0x24: {  	[bflag:$0x0] =	sbarrier.arrive $0xFFFF  }
0x25: {  	[spmem:s2] =	stream.indirect.scatter.add.f32 [tilespmem:s15], [sflag:$0x1], $0x10, s3, s16, $0xb8;
	[tilespmem:$0x5320] =	vst v63  }
0x26: {  	_ = 	snop  }
0x27: {  	[spmem:s2] =	stream.indirect.scatter.add.f32 [tilespmem:s15], [sflag:$0x2], $0x10, s16, s16, $0xb8;
	[tilespmem:$0x5320] =	vst v63  }
0x28: {  	_ = 	snop  }
0x29: {  	[spmem:s2] =	stream.indirect.scatter.add.f32 [tilespmem:s15], [sflag:$0x3], $0x10, s17, s16, $0xb8;
	[tilespmem:$0x5320] =	vst v63  }
0x2a: {  	_ = 	snop  }
0x2b: {  	[spmem:s2] =	stream.indirect.scatter.add.f32 [tilespmem:s15], [sflag:$0x4], $0x10, s18, s16, $0xb8;
	[tilespmem:$0x5320] =	vst v63  }
0x2c: {  	_ = 	snop  }
0x2d: {  	[spmem:s2] =	stream.indirect.scatter.add.f32 [tilespmem:s15], [sflag:$0x5], $0x10, s19, s16, $0xb8;
	[tilespmem:$0x5320] =	vst v63  }
0x2e: {  	_ =	swait.ge [sflag:s20], $0x500  }
0x2f: {  	[sflag:s20] =	ssyncset.done $0x0  }
0x30: {  	s31 =	simm.s32 $0x190;
	[sflag:s20] =	ssyncadd.s32 $0xFFFFFB00  }
0x31: {  	[spmem:s2] =	stream.indirect.scatter.add.f32 [tilespmem:s15], [sflag:$0x1], $0x10, s31, s16, $0xb8;
	[tilespmem:$0x5320] =	vst v63  }
0x32: {  	_ =	swait.ge [sflag:s21], $0x500  }
0x33: {  	[sflag:s21] =	ssyncset.done $0x0  }
0x34: {  	s29 =	simm.s32 $0x1E0;
	[sflag:s21] =	ssyncadd.s32 $0xFFFFFB00  }
0x35: {  	[spmem:s2] =	stream.indirect.scatter.add.f32 [tilespmem:s15], [sflag:$0x2], $0x10, s29, s16, $0xb8;
	[tilespmem:$0x5320] =	vst v63  }
0x36: {  	_ =	swait.ge [sflag:s22], $0x500  }
0x37: {  	[sflag:s22] =	ssyncset.done $0x0  }
0x38: {  	s30 =	simm.s32 $0x230;
	[sflag:s22] =	ssyncadd.s32 $0xFFFFFB00  }
0x39: {  	[spmem:s2] =	stream.indirect.scatter.add.f32 [tilespmem:s15], [sflag:$0x3], $0x10, s30, s16, $0xb8;
	[tilespmem:$0x5320] =	vst v63  }
0x3a: {  	_ =	swait.ge [sflag:s23], $0x500  }
0x3b: {  	[sflag:s23] =	ssyncset.done $0x0  }
0x3c: {  	s31 =	simm.s32 $0x280;
	[sflag:s23] =	ssyncadd.s32 $0xFFFFFB00  }
0x3d: {  	[spmem:s2] =	stream.indirect.scatter.add.f32 [tilespmem:s15], [sflag:$0x4], $0x10, s31, s16, $0xb8;
	[tilespmem:$0x5320] =	vst v63  }
0x3e: {  	_ =	swait.ge [sflag:s24], $0x500  }
0x3f: {  	[sflag:s24] =	ssyncset.done $0x0  }
0x40: {  	s28 =	simm.s32 $0x2D0;
	s26 =	simm.s32 $0xFFFF7040;
	[sflag:s24] =	ssyncadd.s32 $0xFFFFFB00  }
.LBB2_2:
0x41: {  	[spmem:s2] =	stream.indirect.scatter.add.f32 [tilespmem:s15], [sflag:$0x5], $0x10, s28, s16, $0xb8;
	[tilespmem:$0x5320] =	vst v63  }
0x42: {  	s28 =	smov.u32 s26  }
0x43: {  	p1 =	sne.s32 s26, $0xFFFFF9C0;
	s26 =	sadd.s32 $0x640, s26;
	_ =	swait.ge [sflag:s20], $0x500  }
0x44: {  	s28 =	sshra.s32 s28, $0x2;
	[sflag:s20] =	ssyncset.done $0x0  }
0x45: {  	s29 =	sadd.s32 $0x2710, s28;
	[sflag:s20] =	ssyncadd.s32 $0xFFFFFB00  }
0x46: {  	[spmem:s2] =	stream.indirect.scatter.add.f32 [tilespmem:s15], [sflag:$0x1], $0x10, s29, s16, $0xb8;
	[tilespmem:$0x5320] =	vst v63  }
0x47: {  	_ =	swait.ge [sflag:s21], $0x500  }
0x48: {  	[sflag:s21] =	ssyncset.done $0x0  }
0x49: {  	s29 =	sadd.s32 $0x2760, s28;
	[sflag:s21] =	ssyncadd.s32 $0xFFFFFB00  }
0x4a: {  	[spmem:s2] =	stream.indirect.scatter.add.f32 [tilespmem:s15], [sflag:$0x2], $0x10, s29, s16, $0xb8;
	[tilespmem:$0x5320] =	vst v63  }
0x4b: {  	_ =	swait.ge [sflag:s22], $0x500  }
0x4c: {  	[sflag:s22] =	ssyncset.done $0x0  }
0x4d: {  	s29 =	sadd.s32 $0x27B0, s28;
	[sflag:s22] =	ssyncadd.s32 $0xFFFFFB00  }
0x4e: {  	[spmem:s2] =	stream.indirect.scatter.add.f32 [tilespmem:s15], [sflag:$0x3], $0x10, s29, s16, $0xb8;
	[tilespmem:$0x5320] =	vst v63  }
0x4f: {  	_ =	swait.ge [sflag:s23], $0x500  }
0x50: {  	[sflag:s23] =	ssyncset.done $0x0  }
.Ltmp0:
0x51: {  	s29 =	sadd.s32 $0x2800, s28;
	[sflag:s23] =	ssyncadd.s32 $0xFFFFFB00;
	(pc) =	sbr.rel @p1 .LBB2_2-.Ltmp0, $4  }
0x52: {  	[spmem:s2] =	stream.indirect.scatter.add.f32 [tilespmem:s15], [sflag:$0x4], $0x10, s29, s16, $0xb8;
	[tilespmem:$0x5320] =	vst v63  }
0x53: {  	_ =	swait.ge [sflag:s24], $0x500  }
0x54: {  	[sflag:s24] =	ssyncset.done $0x0  }
0x55: {  	s28 =	sadd.s32 $0x2850, s28;
	[sflag:s24] =	ssyncadd.s32 $0xFFFFFB00  }
0x56: {  	[spmem:s2] =	stream.indirect.scatter.add.f32 [tilespmem:s15], [sflag:$0x5], $0x10, s28, s16, $0xb8;
	[tilespmem:$0x5320] =	vst v63  }
0x57: {  	_ =	swait.ge [sflag:s20], $0x500  }
0x58: {  	[sflag:s20] =	ssyncset.done $0x0  }
0x59: {  	[sflag:s20] =	ssyncadd.s32 $0xFFFFFB00  }
0x5a: {  	_ =	swait.ge [sflag:s21], $0x500  }
0x5b: {  	[sflag:s21] =	ssyncset.done $0x0  }
0x5c: {  	[sflag:s21] =	ssyncadd.s32 $0xFFFFFB00  }
0x5d: {  	_ =	swait.ge [sflag:s22], $0x500  }
0x5e: {  	[sflag:s22] =	ssyncset.done $0x0  }
0x5f: {  	[sflag:s22] =	ssyncadd.s32 $0xFFFFFB00  }
0x60: {  	_ =	swait.ge [sflag:s23], $0x500  }
0x61: {  	[sflag:s23] =	ssyncset.done $0x0  }
0x62: {  	[sflag:s23] =	ssyncadd.s32 $0xFFFFFB00  }
0x63: {  	_ =	swait.ge [sflag:s24], $0x500  }
0x64: {  	[sflag:s24] =	ssyncset.done $0x0  }
0x65: {  	[sflag:s24] =	ssyncadd.s32 $0xFFFFFB00  }
0x66: {  	[bflag:$0x0] =	sbarrier.arrive $0xFFFF  }
0x67: {  	[hbm:s9], [sflag:s6] =	dma.local [spmem:s12], $0x4E0  }
0x68: {  	s25 =	sadd.s32 $0x1, s25;
	_ =	swait.ge [sflag:s13], $0x4E0  }
0x69: {  	p1 =	sne.s32 s25, s11;
	[sflag:s13] =	ssyncset.done $0x0  }
.Ltmp1:
0x6a: {  	s26 =	simm.s32 @!p0 $0x6;
	[sflag:s13] =	ssyncadd.s32 $0xFFFFFB20;
	(pc) =	sbr.rel @p1 .LBB2_1-.Ltmp1, $4  }
0x6b: {  	[hbm:s10], [sflag:s6] =	dma.local @!p0 [spmem:s14], $0x20  }
0x6c: {  	_ =	swait.ge @!p0 [sflag:s26], $0x20  }
0x6d: {  	[sflag:s26] =	ssyncset.done @!p0 $0x0  }
0x6e: {  	[sflag:s26] =	ssyncadd.s32 @!p0 $0xFFFFFFE0  }
0x6f: {  	_ =	sfence.sel $0x180000  }
0x70: {  	[bflag:$0x0] =	sbarrier.arrive $0xFFFF  }
0x71: {  	p0 =	sne.s32 s1, $0x0;
	_ =	strace $0x90000047  }
0x72: {  	s0 =	sadd.s32 @!p0 $0x100000, s0;
	[bflag:$0x2] =	sbarrier.arrive $0xFFFF  }
0x73: {  	[sflag:s0] =	ssyncadd.tile.s32 @!p0 $0x1;
	_ =	shalt  }
.Lfunc_end2:
_tile_overlayer_lowered:
.L_overlay_start_2:
0x74: {  	(tag) =	ssettag $0x2  }
0x75: {  	s0 =	rddreg [dreg:$0x0];
	s2 =	stileid.u32  }
0x76: {  	s1 =	rddreg [dreg:$0x1];
	p0 =	sne.s32 s2, $0x0  }
0x77: {  	s3 =	rddreg [dreg:$0x2];
	[bflag:$0x3] =	sbarrier.arrive $0xFFFF;
	s2 =	simm.s32 @!p0 $0x1C06  }
0x78: {  	[timem:s3], [sflag:s2] =	dma.local @!p0 [hbm:s0], s1  }
0x79: {  	s0 =	simm.s32 @!p0 $0x6  }
0x7a: {  	_ =	swait.ge @!p0 [sflag:s0], s1  }
0x7b: {  	s1 =	ssub.s32 @!p0 $0x0, s1;
	[sflag:s0] =	ssyncset.done @!p0 $0x0  }
0x7c: {  	[sflag:s0] =	ssyncadd.s32 @!p0 s1  }
0x7d: {  	[bflag:$0x3] =	sbarrier.arrive $0xFFFF  }
0x7e: {  	_ =	shalt  }

</sc_bundles>
